<compile_context>
chip_gen: v7x
topology: tpu7x:2x2x1
jax: 0.10.2.dev20260603
libtpu: 0.0.44.dev20260713+nightly
codegen_flags: <defaults>
</compile_context>

<pallas_src>
import functools

import jax
import jax.numpy as jnp
from jax import lax
from jax.experimental import pallas as pl
from jax.experimental.pallas import tpu as pltpu
from jax.experimental.pallas import tpu_sc as plsc

B, S, V, P, D = 4096, 200, 128, 512, 256
N = B * S
NC, NS, L = 2, 16, 16
NW = NC * NS
ROWS_PER_W = N // NW
C = 128
CHUNKS = ROWS_PER_W // C


def _fuse_note_table(note_table, pent_mask_col):
    def body(nt_ref, pm_ref, out_ref):
        out_ref[...] = nt_ref[...] + pm_ref[...] * 0.1

    return pl.pallas_call(
        body,
        out_shape=jax.ShapeDtypeStruct((V, D), jnp.float32),
    )(note_table, pent_mask_col)


@functools.partial(
    pl.kernel,
    out_type=jax.ShapeDtypeStruct((N, D), jnp.float32),
    mesh=plsc.VectorSubcoreMesh(core_axis_name="c", subcore_axis_name="s"),
    scratch_types=[
        pltpu.VMEM((C,), jnp.int32),
        pltpu.VMEM((C,), jnp.int32),
        pltpu.VMEM((C, D), jnp.float32),
        pltpu.VMEM((C, D), jnp.float32),
        pltpu.SemaphoreType.DMA,
        pltpu.SemaphoreType.DMA,
    ],
)
def _sc_lookup(note_hbm, pos_hbm, x_hbm, p_hbm, out_hbm,
               xi_v, pi_v, nrow_v, prow_v, sem_n, sem_p):
    wid = lax.axis_index("s") * NC + lax.axis_index("c")
    base = wid * ROWS_PER_W

    def chunk_body(ci, _):
        off = base + ci * C
        pltpu.sync_copy(x_hbm.at[pl.ds(off, C)], xi_v)
        pltpu.sync_copy(p_hbm.at[pl.ds(off, C)], pi_v)
        cp_n = pltpu.async_copy(note_hbm.at[xi_v], nrow_v, sem_n)
        cp_p = pltpu.async_copy(pos_hbm.at[pi_v], prow_v, sem_p)
        cp_n.wait()
        cp_p.wait()

        def add_body(i, _):
            r = i // (D // L)
            j = i % (D // L)
            sl = pl.ds(j * L, L)
            nrow_v[r, sl] = nrow_v[r, sl] + prow_v[r, sl]
            return ()

        lax.fori_loop(0, C * (D // L), add_body, ())
        pltpu.sync_copy(nrow_v, out_hbm.at[pl.ds(off, C)])
        return ()

    lax.fori_loop(0, CHUNKS, chunk_body, ())


def kernel(x, positions, note_table, pos_table, pent_mask):
    fused_note = _fuse_note_table(note_table, jnp.tile(pent_mask[:, None], (1, D)))
    out = _sc_lookup(fused_note, pos_table,
                     x.reshape(N), positions.reshape(N))
    return out.reshape(B, S, D)

# --- scband reference (transcript-rebuilt; emitter-appended) ---
"""Pipeline reference for scband-phin-pentatonic-embedding-56710748176478 (READ-ONLY COPY).

The authoritative reference and input builder live on the scoring server;
editing this copy changes nothing except your own understanding.
"""

import jax, jax.numpy as jnp
import numpy as np

VOCAB = 128
EMBED = 256
MAX_POS = 512
BATCH = 4096
SEQ = 200


def _pentatonic_mask():
    m = np.zeros(VOCAB, dtype=np.float32)
    for note in [0, 3, 5, 7, 10]:
        m[note] = 1.0
        for octave in range(1, 11):
            midi_note = note + octave * 12
            if midi_note < VOCAB:
                m[midi_note] = 1.0
    return jnp.asarray(m)


def setup_inputs(seed: int = 0) -> dict:
    key = jax.random.key(seed)
    k1, k2, k3, k4 = jax.random.split(key, 4)
    x = jax.random.randint(k1, (BATCH, SEQ), 0, VOCAB, dtype=jnp.int32)
    positions = jax.random.randint(k2, (BATCH, SEQ), 0, SEQ, dtype=jnp.int32)
    note_table = jax.random.normal(k3, (VOCAB, EMBED), dtype=jnp.float32)
    pos_table = jax.random.normal(k4, (MAX_POS, EMBED), dtype=jnp.float32)
    pent_mask = _pentatonic_mask()
    return {"x": x, "positions": positions, "note_table": note_table,
            "pos_table": pos_table, "pent_mask": pent_mask}


def reference(x, positions, note_table, pos_table, pent_mask):
    # note_embedding(x)
    note_embeds = jnp.take(note_table, x, axis=0)            # [B, S, D]
    # pentatonic bias: mask[x] broadcast over embed dim, scaled by 0.1
    pentatonic_bias = pent_mask[x][..., None] * 0.1          # [B, S, 1] -> broadcast [B, S, D]
    pentatonic_bias = jnp.broadcast_to(pentatonic_bias, note_embeds.shape)
    # position_embedding(positions)
    pos_embeds = jnp.take(pos_table, positions, axis=0)      # [B, S, D]
    return note_embeds + pentatonic_bias + pos_embeds

if __name__ == "__main__":
    import jax
    _d = setup_inputs()
    print(jax.jit(kernel)(*tuple(_d.values())))

</pallas_src>

<mosaic_0001>
#map = affine_map<(d0, d1) -> (0, 0)>
#map1 = affine_map<(d0, d1) -> (0)>
module attributes {stable_mosaic.version = 14 : i64} {
  func.func @_sc_lookup(%arg0: i32, %arg1: i32, %arg2: memref<128x256xf32, #tpu.memory_space<hbm>>, %arg3: memref<512x256xf32, #tpu.memory_space<hbm>>, %arg4: memref<819200xi32, #tpu.memory_space<hbm>>, %arg5: memref<819200xi32, #tpu.memory_space<hbm>>, %arg6: memref<819200x256xf32, #tpu.memory_space<hbm>>, %arg7: memref<128xi32, #tpu.memory_space<vmem>>, %arg8: memref<128xi32, #tpu.memory_space<vmem>>, %arg9: memref<128x256xf32, #tpu.memory_space<vmem>>, %arg10: memref<128x256xf32, #tpu.memory_space<vmem>>, %arg11: memref<!tpu.dma_semaphore, #tpu.memory_space<semaphore_mem>>, %arg12: memref<!tpu.dma_semaphore, #tpu.memory_space<semaphore_mem>>) attributes {dimension_semantics = [#tpu.dimension_semantics<core_parallel>, #tpu.dimension_semantics<subcore_parallel>], iteration_bounds = array<i64: 2, 16>, scalar_prefetch = 0 : i64, scratch_operands = 6 : i64, tpu.core_type = #tpu.core_type<sc_vector_subcore>, window_params = [{transform_indices = #map}, {transform_indices = #map}, {transform_indices = #map1}, {transform_indices = #map1}, {transform_indices = #map}]} {
    %mul3A = arith.constant 2 : i32
    %mul3A_0 = arith.muli %arg1, %mul3A : i32
    %add3A = arith.addi %mul3A_0, %arg0 : i32
    %mul3A_1 = arith.constant 25600 : i32
    %mul3A_2 = arith.muli %add3A, %mul3A_1 : i32
    %scan3A = arith.constant 0 : i32
    %scan3A_3 = arith.constant 200 : i32
    %scan3A_4 = arith.addi %scan3A, %scan3A_3 : i32
    %scan3A_5 = arith.constant 1 : i32
    scf.for %scan3A_7 = %scan3A to %scan3A_4 step %scan3A_5  : i32 {
      %mul3A_8 = arith.constant 128 : i32
      %mul3A_9 = arith.muli %scan3A_7, %mul3A_8 : i32
      %add3A_10 = arith.addi %mul3A_2, %mul3A_9 : i32
      "tpu.region"() ({
        %run_scoped3A = tpu.sem_alloc : memref<!tpu.dma_semaphore, #tpu.memory_space<semaphore_mem>>
        %dma_start3A_26 = tpu.memref_slice %arg4[%add3A_10] : memref<819200xi32, #tpu.memory_space<hbm>> -> memref<128xi32, #tpu.memory_space<hbm>>
        %dma_start3A_27 = tpu.memref_slice %arg4[%add3A_10] : memref<819200xi32, #tpu.memory_space<hbm>> -> memref<128xi32, #tpu.memory_space<hbm>>
        tpu.enqueue_dma source(%dma_start3A_27 : memref<128xi32, #tpu.memory_space<hbm>>) target(%arg7 : memref<128xi32, #tpu.memory_space<vmem>>) target_semaphore(%run_scoped3A : memref<!tpu.dma_semaphore, #tpu.memory_space<semaphore_mem>>)
        %dma_wait3A_28 = tpu.memref_slice %arg4[%add3A_10] : memref<819200xi32, #tpu.memory_space<hbm>> -> memref<128xi32, #tpu.memory_space<hbm>>
        %dma_wait3A_29 = tpu.memref_slice %arg4[%add3A_10] : memref<819200xi32, #tpu.memory_space<hbm>> -> memref<128xi32, #tpu.memory_space<hbm>>
        tpu.wait_dma2 semaphore(%run_scoped3A : memref<!tpu.dma_semaphore, #tpu.memory_space<semaphore_mem>>) src(%dma_wait3A_29 : memref<128xi32, #tpu.memory_space<hbm>>) dst(%arg7 : memref<128xi32, #tpu.memory_space<vmem>>)
        tpu.yield
      }) : () -> ()
      "tpu.region"() ({
        %run_scoped3A = tpu.sem_alloc : memref<!tpu.dma_semaphore, #tpu.memory_space<semaphore_mem>>
        %dma_start3A_26 = tpu.memref_slice %arg5[%add3A_10] : memref<819200xi32, #tpu.memory_space<hbm>> -> memref<128xi32, #tpu.memory_space<hbm>>
        %dma_start3A_27 = tpu.memref_slice %arg5[%add3A_10] : memref<819200xi32, #tpu.memory_space<hbm>> -> memref<128xi32, #tpu.memory_space<hbm>>
        tpu.enqueue_dma source(%dma_start3A_27 : memref<128xi32, #tpu.memory_space<hbm>>) target(%arg8 : memref<128xi32, #tpu.memory_space<vmem>>) target_semaphore(%run_scoped3A : memref<!tpu.dma_semaphore, #tpu.memory_space<semaphore_mem>>)
        %dma_wait3A_28 = tpu.memref_slice %arg5[%add3A_10] : memref<819200xi32, #tpu.memory_space<hbm>> -> memref<128xi32, #tpu.memory_space<hbm>>
        %dma_wait3A_29 = tpu.memref_slice %arg5[%add3A_10] : memref<819200xi32, #tpu.memory_space<hbm>> -> memref<128xi32, #tpu.memory_space<hbm>>
        tpu.wait_dma2 semaphore(%run_scoped3A : memref<!tpu.dma_semaphore, #tpu.memory_space<semaphore_mem>>) src(%dma_wait3A_29 : memref<128xi32, #tpu.memory_space<hbm>>) dst(%arg8 : memref<128xi32, #tpu.memory_space<vmem>>)
        tpu.yield
      }) : () -> ()
      %dma_start3A = arith.constant 0 : i32
      %dma_start3A_11 = arith.constant 0 : i32
      %dma_start3A_12 = tpu.memref_slice %arg2[%dma_start3A, %dma_start3A_11] : memref<128x256xf32, #tpu.memory_space<hbm>> -> memref<128x256xf32, #tpu.memory_space<hbm>>
      tpu.enqueue_indirect_dma source(%dma_start3A_12 : memref<128x256xf32, #tpu.memory_space<hbm>>) target(%arg9 : memref<128x256xf32, #tpu.memory_space<vmem>>) offsets(%arg7 : memref<128xi32, #tpu.memory_space<vmem>>) semaphore(%arg11 : memref<!tpu.dma_semaphore, #tpu.memory_space<semaphore_mem>>)
      %dma_start3A_13 = arith.constant 0 : i32
      %dma_start3A_14 = arith.constant 0 : i32
      %dma_start3A_15 = tpu.memref_slice %arg3[%dma_start3A_13, %dma_start3A_14] : memref<512x256xf32, #tpu.memory_space<hbm>> -> memref<512x256xf32, #tpu.memory_space<hbm>>
      tpu.enqueue_indirect_dma source(%dma_start3A_15 : memref<512x256xf32, #tpu.memory_space<hbm>>) target(%arg10 : memref<128x256xf32, #tpu.memory_space<vmem>>) offsets(%arg8 : memref<128xi32, #tpu.memory_space<vmem>>) semaphore(%arg12 : memref<!tpu.dma_semaphore, #tpu.memory_space<semaphore_mem>>)
      %dma_wait3A = arith.constant 0 : i32
      %dma_wait3A_16 = arith.constant 0 : i32
      %dma_wait3A_17 = tpu.memref_slice %arg2[%dma_wait3A, %dma_wait3A_16] : memref<128x256xf32, #tpu.memory_space<hbm>> -> memref<128x256xf32, #tpu.memory_space<hbm>>
      tpu.wait_indirect_dma semaphore(%arg11 : memref<!tpu.dma_semaphore, #tpu.memory_space<semaphore_mem>>) src(%dma_wait3A_17 : memref<128x256xf32, #tpu.memory_space<hbm>>) dst(%arg9 : memref<128x256xf32, #tpu.memory_space<vmem>>)
      %dma_wait3A_18 = arith.constant 0 : i32
      %dma_wait3A_19 = arith.constant 0 : i32
      %dma_wait3A_20 = tpu.memref_slice %arg3[%dma_wait3A_18, %dma_wait3A_19] : memref<512x256xf32, #tpu.memory_space<hbm>> -> memref<512x256xf32, #tpu.memory_space<hbm>>
      tpu.wait_indirect_dma semaphore(%arg12 : memref<!tpu.dma_semaphore, #tpu.memory_space<semaphore_mem>>) src(%dma_wait3A_20 : memref<512x256xf32, #tpu.memory_space<hbm>>) dst(%arg10 : memref<128x256xf32, #tpu.memory_space<vmem>>)
      %scan3A_21 = arith.constant 0 : i32
      %scan3A_22 = arith.constant 2048 : i32
      %scan3A_23 = arith.addi %scan3A_21, %scan3A_22 : i32
      %scan3A_24 = arith.constant 1 : i32
      scf.for %scan3A_26 = %scan3A_21 to %scan3A_23 step %scan3A_24  : i32 {
        %jit3A = arith.constant 16 : i32
        %div3A = arith.divsi %scan3A_26, %jit3A : i32
        %sign3A = arith.constant 0 : i32
        %sign3A_27 = arith.cmpi sgt, %scan3A_26, %sign3A : i32
        %sign3A_28 = arith.extui %sign3A_27 : i1 to i32
        %sign3A_29 = arith.constant 0 : i32
        %sign3A_30 = arith.cmpi slt, %scan3A_26, %sign3A_29 : i32
        %sign3A_31 = arith.extui %sign3A_30 : i1 to i32
        %sign3A_32 = arith.subi %sign3A_28, %sign3A_31 : i32
        %sign3A_33 = arith.constant 0 : i32
        %sign3A_34 = arith.cmpi sgt, %jit3A, %sign3A_33 : i32
        %sign3A_35 = arith.extui %sign3A_34 : i1 to i32
        %sign3A_36 = arith.constant 0 : i32
        %sign3A_37 = arith.cmpi slt, %jit3A, %sign3A_36 : i32
        %sign3A_38 = arith.extui %sign3A_37 : i1 to i32
        %sign3A_39 = arith.subi %sign3A_35, %sign3A_38 : i32
        %ne3A = arith.cmpi ne, %sign3A_32, %sign3A_39 : i32
        %rem3A = arith.remsi %scan3A_26, %jit3A : i32
        %ne3A_40 = arith.constant 0 : i32
        %ne3A_41 = arith.cmpi ne, %rem3A, %ne3A_40 : i32
        %and3A = arith.andi %ne3A, %ne3A_41 : i1
        %sub3A = arith.constant 1 : i32
        %sub3A_42 = arith.subi %div3A, %sub3A : i32
        %select_n3A = arith.select %and3A, %sub3A_42, %div3A : i32
        %jit3A_43 = arith.constant 16 : i32
        %eq3A = arith.constant 0 : i32
        %eq3A_44 = arith.cmpi eq, %jit3A_43, %eq3A : i32
        %jit3A_45 = arith.constant 1 : i32
        %select_n3A_46 = arith.select %eq3A_44, %jit3A_45, %jit3A_43 : i32
        %rem3A_47 = arith.remsi %scan3A_26, %select_n3A_46 : i32
        %ne3A_48 = arith.constant 0 : i32
        %ne3A_49 = arith.cmpi ne, %rem3A_47, %ne3A_48 : i32
        %lt3A = arith.constant 0 : i32
        %lt3A_50 = arith.cmpi slt, %rem3A_47, %lt3A : i32
        %lt3A_51 = arith.constant 0 : i32
        %lt3A_52 = arith.cmpi slt, %select_n3A_46, %lt3A_51 : i32
        %ne3A_53 = arith.xori %lt3A_50, %lt3A_52 : i1
        %and3A_54 = arith.andi %ne3A_53, %ne3A_49 : i1
        %add3A_55 = arith.addi %rem3A_47, %select_n3A_46 : i32
        %select_n3A_56 = arith.select %and3A_54, %add3A_55, %rem3A_47 : i32
        %mul3A_57 = arith.constant 16 : i32
        %mul3A_58 = arith.muli %select_n3A_56, %mul3A_57 : i32
        %get3A = arith.index_cast %select_n3A : i32 to index
        %get3A_59 = arith.index_cast %mul3A_58 : i32 to index
        %get3A_60 = tpu.vector_load %arg9[%get3A, %get3A_59] {strides = array<i32>} : memref<128x256xf32, #tpu.memory_space<vmem>>, vector<1x16xf32>,
        %get3A_61 = vector.shape_cast %get3A_60 : vector<1x16xf32> to vector<16xf32>
        %get3A_62 = arith.index_cast %select_n3A : i32 to index
        %get3A_63 = arith.index_cast %mul3A_58 : i32 to index
        %get3A_64 = tpu.vector_load %arg10[%get3A_62, %get3A_63] {strides = array<i32>} : memref<128x256xf32, #tpu.memory_space<vmem>>, vector<1x16xf32>,
        %get3A_65 = vector.shape_cast %get3A_64 : vector<1x16xf32> to vector<16xf32>
        %add3A_66 = arith.addf %get3A_61, %get3A_65 : vector<16xf32>
        %swap3A = arith.index_cast %select_n3A : i32 to index
        %swap3A_67 = arith.index_cast %mul3A_58 : i32 to index
        %swap3A_68 = tpu.vector_load %arg9[%swap3A, %swap3A_67] {strides = array<i32>} : memref<128x256xf32, #tpu.memory_space<vmem>>, vector<1x16xf32>,
        %swap3A_69 = vector.shape_cast %swap3A_68 : vector<1x16xf32> to vector<16xf32>
        %swap3A_70 = vector.shape_cast %add3A_66 : vector<16xf32> to vector<1x16xf32>
        tpu.vector_store %arg9[%swap3A, %swap3A_67], %swap3A_70 {strides = array<i32>} : memref<128x256xf32, #tpu.memory_space<vmem>>, vector<1x16xf32>,
      }
      %scan3A_25 = arith.constant 2048 : i32
      "tpu.region"() ({
        %run_scoped3A = tpu.sem_alloc : memref<!tpu.dma_semaphore, #tpu.memory_space<semaphore_mem>>
        %dma_start3A_26 = arith.constant 0 : i32
        %dma_start3A_27 = tpu.memref_slice %arg6[%add3A_10, %dma_start3A_26] : memref<819200x256xf32, #tpu.memory_space<hbm>> -> memref<128x256xf32, #tpu.memory_space<hbm>>
        %dma_start3A_28 = arith.constant 0 : i32
        %dma_start3A_29 = tpu.memref_slice %arg6[%add3A_10, %dma_start3A_28] : memref<819200x256xf32, #tpu.memory_space<hbm>> -> memref<128x256xf32, #tpu.memory_space<hbm>>
        tpu.enqueue_dma source(%arg9 : memref<128x256xf32, #tpu.memory_space<vmem>>) target(%dma_start3A_29 : memref<128x256xf32, #tpu.memory_space<hbm>>) target_semaphore(%run_scoped3A : memref<!tpu.dma_semaphore, #tpu.memory_space<semaphore_mem>>)
        %dma_wait3A_30 = arith.constant 0 : i32
        %dma_wait3A_31 = tpu.memref_slice %arg6[%add3A_10, %dma_wait3A_30] : memref<819200x256xf32, #tpu.memory_space<hbm>> -> memref<128x256xf32, #tpu.memory_space<hbm>>
        %dma_wait3A_32 = arith.constant 0 : i32
        %dma_wait3A_33 = tpu.memref_slice %arg6[%add3A_10, %dma_wait3A_32] : memref<819200x256xf32, #tpu.memory_space<hbm>> -> memref<128x256xf32, #tpu.memory_space<hbm>>
        tpu.wait_dma2 semaphore(%run_scoped3A : memref<!tpu.dma_semaphore, #tpu.memory_space<semaphore_mem>>) src(%arg9 : memref<128x256xf32, #tpu.memory_space<vmem>>) dst(%dma_wait3A_33 : memref<128x256xf32, #tpu.memory_space<hbm>>)
        tpu.yield
      }) : () -> ()
    }
    %scan3A_6 = arith.constant 200 : i32
    return
  }
}

module attributes {stable_mosaic.version = 14 : i64} {
  func.func @body(%arg0: memref<128x256xf32, #tpu.memory_space<vmem>>, %arg1: memref<128x256xf32, #tpu.memory_space<vmem>>, %arg2: memref<128x256xf32, #tpu.memory_space<vmem>>) attributes {dimension_semantics = [], scalar_prefetch = 0 : i64, scratch_operands = 0 : i64, tpu.core_type = #tpu.core_type<tc>} {
    %get3A = arith.constant 0 : index
    %get3A_0 = arith.constant 0 : index
    %get3A_1 = vector.load %arg0[%get3A, %get3A_0] : memref<128x256xf32, #tpu.memory_space<vmem>>, vector<128x256xf32>
    %get3A_2 = arith.constant 0 : index
    %get3A_3 = arith.constant 0 : index
    %get3A_4 = vector.load %arg1[%get3A_2, %get3A_3] : memref<128x256xf32, #tpu.memory_space<vmem>>, vector<128x256xf32>
    %mul3A = arith.constant 1.000000e-01 : f32
    %mul3A_5 = vector.broadcast %mul3A : f32 to vector<128x256xf32>
    %mul3A_6 = arith.mulf %get3A_4, %mul3A_5 : vector<128x256xf32>
    %add3A = arith.addf %get3A_1, %mul3A_6 : vector<128x256xf32>
    %swap3A = arith.constant 0 : index
    %swap3A_7 = arith.constant 0 : index
    %swap3A_8 = vector.load %arg2[%swap3A, %swap3A_7] : memref<128x256xf32, #tpu.memory_space<vmem>>, vector<128x256xf32>
    tpu.vector_store %arg2[%swap3A, %swap3A_7], %add3A {strides = array<i32>} : memref<128x256xf32, #tpu.memory_space<vmem>>, vector<128x256xf32>,
    return
  }
}

</mosaic_0001>

<sc_bundles>
// kernel: kernel.4.cloned.1.call-start
scs
__scs_entry_jumppad:
0x0: {  	(pc) =	sbr.rel $0x88, $3  }
0x1: {  	(tag) =	ssettag $0x0;
	lr =	simm.s32 $0x1  }
0x2: {  	[smem:$0x3F9C] =	sst lr;
	_ =	strace $0xD0000000  }
0x3: {  	_ = 	snop  }
0x4: {  	_ = 	snop  }
0x5: {  	_ = 	snop  }
0x6: {  	_ = 	snop  }
0x7: {  	_ = 	snop  }
__scs_overlays_trampoline_lowered:
0x8: {  	[smem:$0x3FAB] =	sst s0  }
0x9: {  	[smem:$0x3FAC] =	sst s1  }
0xa: {  	[smem:$0x3FAD] =	sst s2  }
0xb: {  	[smem:$0x3FAE] =	sst s3  }
0xc: {  	[smem:$0x3FAF] =	sst s4  }
0xd: {  	[smem:$0x3FB0] =	sst s5  }
0xe: {  	[smem:$0x3FB1] =	sst s6  }
0xf: {  	[smem:$0x3FB2] =	sst s7  }
0x10: {  	[smem:$0x3FB3] =	sst s8  }
0x11: {  	[smem:$0x3FB4] =	sst s9;
	s0 =	simm.s32 @!p0 $0x0  }
0x12: {  	s1 =	sld [smem:$0x3F9A];
	s0 =	simm.s32 @p0 $0x1  }
0x13: {  	[smem:$0x3FB5] =	sst s0;
	s0 =	simm.s32 @!p1 $0x0  }
0x14: {  	s2 =	sld [smem:$0x3F99];
	s0 =	simm.s32 @p1 $0x1  }
0x15: {  	[smem:$0x3FB6] =	sst s0;
	s0 =	simm.s32 @!p2 $0x0  }
0x16: {  	s3 =	sld [smem:$0x3FDB];
	s0 =	simm.s32 @p2 $0x1  }
0x17: {  	s4 =	simm.s32 $0x1BF5;
	[smem:$0x3FB8] =	sst s0  }
0x18: {  	s0 =	sld [smem:$0x3F9B];
	_ =	swait.ge [sflag:s4], $0x0  }
0x19: {  	s7 =	sld [smem:$0x3F9C]  }
0x1a: {  	s8 =	sadd.s32 $0xFFFFE003, lr  }
0x1b: {  	s9 =	sadd.s32 $0xFFFFFEF7, lr;
	s5 =	simm.s32 $0xFFFFFFFF;
	p2 =	slt.u32 s8, $0xFFFFF086  }
0x1c: {  	p1 =	slt.u32 s9, $0xF7A;
	s5 =	simm.s32 @!p2 $0x0  }
0x1d: {  	s5 =	simm.s32 @p1 $0x1;
	p0 =	seq.s32 s7, s2  }
0x1e: {  	s7 =	smul.u32 @!p0 $0xF7A, s2;
	p2 =	seq.s32 @!p0 s5, $0x0  }
0x1f: {  	s9 =	smul.u32 $0xF7A, s1;
	s8 =	simm.s32 @!p0 $0x1BF5;
	p2 =	por !p2, p0  }
0x20: {  	[sflag:s8] =	ssyncset.s32 @!p0 $0xFFFFF086;
	s6 =	sadd.s32 @!p0 s3, s7;
	s7 =	simm.s32 @!p0 $0x108  }
0x21: {  	s3 =	sadd.s32 s3, s9;
	s6 =	sadd.s32 @!p0 $0x88, s6;
	s7 =	simm.s32 @p2 $0x1082  }
0x22: {  	[simem:s7], [sflag:s8] =	dma.local @!p0 [hbm:s6], $0xF7A  }
0x23: {  	s9 =	sor.u32 $0xD0000000, s2;
	s6 =	simm.s32 $0x108;
	_ =	swait.ge @!p0 [sflag:s8], $0x0  }
0x24: {  	s3 =	sadd.s32 $0x88, s3;
	s6 =	simm.s32 @!p1 $0x1082;
	[sflag:s4] =	ssyncset.s32 $0xFFFFF086  }
0x25: {  	[simem:s6], [sflag:s4] =	dma.local [hbm:s3], $0xF7A  }
0x26: {  	[smem:$0x3F9C] =	sst s1;
	(tag) =	ssettag s2;
	_ =	strace s9  }
0x27: {  	s1 =	sld [smem:$0x3FAC]  }
0x28: {  	s2 =	sld [smem:$0x3FAD]  }
0x29: {  	s4 =	sld [smem:$0x3FAF]  }
0x2a: {  	p0 =	seq.s32 s5, $0x0;
	s5 =	sld [smem:$0x3FB0]  }
0x2b: {  	s6 =	sld [smem:$0x3FB1]  }
0x2c: {  	s7 =	sld [smem:$0x3FB2]  }
0x2d: {  	s3 =	simm.s32 $0x108;
	s8 =	sld [smem:$0x3FB3]  }
0x2e: {  	s3 =	simm.s32 @!p0 $0x1082;
	s9 =	sld [smem:$0x3FB4]  }
0x2f: {  	lr =	sadd.s32 s0, s3;
	s0 =	sld [smem:$0x3FAB]  }
0x30: {  	s3 =	sld [smem:$0x3FAE]  }
0x31: {  	[smem:$0x3FB7] =	sst s10  }
0x32: {  	s10 =	sld [smem:$0x3FB5];
	_ =	sdelay $0x3  }
0x33: {  	p0 =	seq.s32 s10, $0x1;
	s10 =	sld [smem:$0x3FB7];
	_ =	sdelay $0x3  }
0x34: {  	[smem:$0x3FB7] =	sst s10  }
0x35: {  	s10 =	sld [smem:$0x3FB6];
	_ =	sdelay $0x3  }
0x36: {  	p1 =	seq.s32 s10, $0x1;
	s10 =	sld [smem:$0x3FB7];
	_ =	sdelay $0x3  }
0x37: {  	[smem:$0x3FB7] =	sst s10  }
0x38: {  	s10 =	sld [smem:$0x3FB8]  }
0x39: {  	_ = 	snop;
	(pc) =	sbr.ind lr, $3  }
0x3a: {  	_ = 	snop  }
0x3b: {  	_ = 	snop  }
0x3c: {  	p2 =	seq.s32 s10, $0x1;
	s10 =	sld [smem:$0x3FB7]  }
0x3d: {  	_ =	shalt  }
0x3e: {  	_ =	shalt  }
0x3f: {  	_ =	shalt  }
0x40: {  	_ =	shalt  }
0x41: {  	_ =	shalt  }
0x42: {  	_ =	shalt  }
0x43: {  	_ =	shalt  }
0x44: {  	_ =	shalt  }
0x45: {  	_ =	shalt  }
0x46: {  	_ =	shalt  }
0x47: {  	_ =	shalt  }
0x48: {  	_ =	shalt  }
0x49: {  	_ =	shalt  }
0x4a: {  	_ =	shalt  }
0x4b: {  	_ =	shalt  }
0x4c: {  	_ =	shalt  }
0x4d: {  	_ =	shalt  }
0x4e: {  	_ =	shalt  }
0x4f: {  	_ =	shalt  }
0x50: {  	_ =	shalt  }
0x51: {  	_ =	shalt  }
0x52: {  	_ =	shalt  }
0x53: {  	_ =	shalt  }
0x54: {  	_ =	shalt  }
0x55: {  	_ =	shalt  }
0x56: {  	_ =	shalt  }
0x57: {  	_ =	shalt  }
0x58: {  	_ =	shalt  }
0x59: {  	_ =	shalt  }
0x5a: {  	_ =	shalt  }
0x5b: {  	_ =	shalt  }
0x5c: {  	_ =	shalt  }
0x5d: {  	_ =	shalt  }
0x5e: {  	_ =	shalt  }
0x5f: {  	_ =	shalt  }
0x60: {  	_ =	shalt  }
0x61: {  	_ =	shalt  }
0x62: {  	_ =	shalt  }
0x63: {  	_ =	shalt  }
0x64: {  	_ =	shalt  }
0x65: {  	_ =	shalt  }
0x66: {  	_ =	shalt  }
0x67: {  	_ =	shalt  }
0x68: {  	_ =	shalt  }
0x69: {  	_ =	shalt  }
0x6a: {  	_ =	shalt  }
0x6b: {  	_ =	shalt  }
0x6c: {  	_ =	shalt  }
0x6d: {  	_ =	shalt  }
0x6e: {  	_ =	shalt  }
0x6f: {  	_ =	shalt  }
0x70: {  	_ =	shalt  }
0x71: {  	_ =	shalt  }
0x72: {  	_ =	shalt  }
0x73: {  	_ =	shalt  }
0x74: {  	_ =	shalt  }
0x75: {  	_ =	shalt  }
0x76: {  	_ =	shalt  }
0x77: {  	_ =	shalt  }
0x78: {  	_ =	shalt  }
0x79: {  	_ =	shalt  }
0x7a: {  	_ =	shalt  }
0x7b: {  	_ =	shalt  }
0x7c: {  	_ =	shalt  }
0x7d: {  	_ =	shalt  }
0x7e: {  	_ =	shalt  }
0x7f: {  	_ =	shalt  }
0x80: {  	_ =	shalt  }
0x81: {  	_ =	shalt  }
0x82: {  	_ =	shalt  }
0x83: {  	_ =	shalt  }
0x84: {  	_ =	shalt  }
0x85: {  	_ =	shalt  }
0x86: {  	_ =	shalt  }
0x87: {  	_ =	shalt  }
.Lfunc_end0:
.L_simem_size_0:
called_computation_lowered:
.L_overlay_start_0:
0x88: {  	s2 =	sld [smem:$0x3FD9]  }
0x89: {  	s3 =	sld [smem:$0x3FFE];
	_ =	sdelay $0x1  }
0x8a: {  	s1 =	srdreg.scid  }
0x8b: {  	s0 =	sand.u32 $0x1, s1  }
0x8c: {  	s17 =	sshll.u32 s0, $0xA;
	s2 =	sadd.s32 s3, s2  }
0x8d: {  	s2 =	sadd.s32 s2, s17  }
0x8e: {  	[smem:$0x3FC3] =	sst s2  }
0x8f: {  	_ = 	snop  }
0x90: {  	s2 =	sld [smem:$0x3FC6]  }
0x91: {  	s18 =	sld [smem:$0x3FD0];
	(tm) =	ssettm $0x1  }
0x92: {  	s4 =	sld [smem:$0x3FFB];
	_ =	sdelay $0x3  }
0x93: {  	_ =	strace s4  }
0x94: {  	s4 =	sld [smem:$0x3FFC];
	_ =	sdelay $0x3  }
0x95: {  	_ =	strace s4  }
0x96: {  	s4 =	sld [smem:$0x3FFD];
	_ =	sdelay $0x3  }
0x97: {  	_ =	strace s4  }
0x98: {  	_ =	strace $0x8FFFFFFF  }
0x99: {  	s19 =	sld [smem:$0x3FDB];
	_ =	sdelay $0x1  }
0x9a: {  	s5 =	simm.s32 $_scs_section_size  }
0x9b: {  	s6 =	simm.s32 $_size__tile_overlayer_lowered;
	s7 =	simm.s32 $_tile_overlayer_lowered  }
0x9c: {  	s22 =	simm.s32 $0x1BFF;
	s21 =	sshll.u32 s7, $0x1;
	s4 =	sadd.s32 s5, s19  }
0x9d: {  	s8 =	simm.s32 $0x0;
	s20 =	sshll.u32 s6, $0x1;
	s6 =	sadd.s32 s21, s4  }
0x9e: {  	[timem:s8], [sflag:s22] =	dma.local [hbm:s6], s20  }
0x9f: {  	_ =	swait.ge [sflag:s22], s20  }
0xa0: {  	s5 =	ssub.s32 $0x0, s20;
	[sflag:s22] =	ssyncset.done $0x0  }
0xa1: {  	[sflag:s22] =	ssyncadd.s32 s5;
	_ =	sdelay $0x1  }
0xa2: {  	s23 =	simm.s32 $0x1B8B  }
0xa3: {  	_ =	swait.ge [sflag:s23], $0x1  }
0xa4: {  	[sflag:s23] =	ssyncset.done $0x0  }
0xa5: {  	s25 =	simm.s32 $0x1B8E;
	s24 =	sld [smem:$0x3FFE];
	[sflag:s23] =	ssyncadd.s32 $0xFFFFFFFF  }
0xa6: {  	s26 =	simm.s32 $execute0_lowered;
	[smem:$0x3FD2] =	sst s25  }
0xa7: {  	s6 =	sshll.u32 s26, $0x1;
	_ =	strace $0x80000046;
	[dreg:$0x1] =	wrdreg $0xFFFFFFFF  }
0xa8: {  	s28 =	simm.s32 $_size_execute0_lowered;
	s4 =	sadd.s32 s4, s6;
	[dreg:$0x0] =	wrdreg $0x0  }
0xa9: {  	s6 =	sshll.u32 s28, $0x1;
	[dreg:$0x2] =	wrdreg s4  }
0xaa: {  	[dreg:$0x3] =	wrdreg s6  }
0xab: {  	[dreg:$0x4] =	wrdreg $0xC0  }
0xac: {  	_ =	task [dreg:s8], $0x5FFFF  }
0xad: {  	[dreg:$0x1] =	wrdreg $0xFFFFFFFF  }
0xae: {  	[dreg:$0x0] =	wrdreg $0x60  }
0xaf: {  	[dreg:$0x2] =	wrdreg s24  }
0xb0: {  	[dreg:$0x3] =	wrdreg s2  }
0xb1: {  	[dreg:$0x4] =	wrdreg s18  }
0xb2: {  	[dreg:$0x5] =	wrdreg $0x9  }
0xb3: {  	_ =	task.clear_ibuf [dreg:s8], $0x6FFFF;
	_ =	strace $0x90000046  }
0xb4: {  	s29 =	simm.s32 $0x9;
	_ =	strace $0x80000048  }
0xb5: {  	_ =	swait.ge [sflag:s29], $0x1  }
0xb6: {  	[sflag:s29] =	ssyncadd.s32 $0xFFFFFFFF  }
0xb7: {  	_ =	strace $0x90000048  }
0xb8: {  	_ =	sfence  }
0xb9: {  	s30 =	sld [smem:$0x0];
	_ =	sdelay $0x2  }
0xba: {  	s31 =	sshll.u32 s1, $0xD;
	s1 =	sshrl.u32 s1, $0x2  }
0xbb: {  	s3 =	sand.u32 $0x4000, s31;
	s1 =	sadd.s32 s1, s30  }
0xbc: {  	s0 =	sor.u32 s3, s0;
	s1 =	sshll.u32 s1, $0x11  }
0xbd: {  	s0 =	sor.u32 s1, s0  }
0xbe: {  	s0 =	sadd.s32 $0x8F2B, s0  }
0xbf: {  	[sflag:s0] =	ssyncadd.remote.s32 $0x1  }
0xc0: {  	_ =	sfence.sel $0xFFFF  }
0xc1: {  	[dreg:$0x0] =	wrdreg $0xFFFFFFFF;
	(pc) =	sbr.abs _section_cstart, $3  }
0xc2: {  	[dreg:$0x1] =	wrdreg $0xFFFFFFFF  }
0xc3: {  	_ =	task.clear_ibuf [dreg:s8], $0x2FFFF;
	_ =	strace $0x9FFFFFFF  }
0xc4: {  	(tm) =	ssettm $0x7FFFFFFF  }
0xc5: {  	_ =	shalt  }
tec
execute0_lowered:
.L_overlay_start_1:
0x0: {  	(tag) =	ssettag $0x1  }
0x1: {  	s0 =	rddreg [dreg:$0x0]  }
0x2: {  	s1 =	rddreg [dreg:$0x1];
	s2 =	simm.s32 $0x0  }
0x3: {  	s30 =	srdreg.scid;
	s7 =	stileid.u32;
	s10 =	simm.s32 $0x3  }
0x4: {  	s12 =	simm.s32 $0x100;
	s9 =	simm.s32 $0xA900;
	s11 =	simm.s32 $0xC100  }
0x5: {  	s13 =	simm.s32 $0xC900;
	s14 =	simm.s32 $0xD100;
	s15 =	simm.s32 $0xD900  }
0x6: {  	s16 =	simm.s32 $0xE100;
	s17 =	simm.s32 $0xE900;
	s18 =	simm.s32 $0xF100  }
0x7: {  	s19 =	simm.s32 $0xF900;
	s20 =	simm.s32 $0x1;
	s21 =	simm.s32 $0x2  }
0x8: {  	s22 =	simm.s32 $0x0;
	[smem:$0x7FF] =	sst s2;
	s2 =	sand.u32 $0x1, s30  }
0x9: {  	s5 =	sadd.s32 $0x32C00, s0;
	s6 =	sadd.s32 $0xC00, s0;
	s3 =	ssub.s32 $0x2, s2  }
0xa: {  	s8 =	sshll.u32 s7, $0x1;
	s7 =	sadd.s32 $0x19C00, s0;
	s4 =	sshrl.u32 s3, $0x1  }
0xb: {  	v2 =	vlaneseq.u32;
	_ =	strace $0x80000047;
	s2 =	sor.u32 s2, s8;
	s31 =	ssub.s32 s3, s4  }
0xc: {  	vm0 =	vmmov $0xffff;
	v1 =	vshrl.u32 v2, $0x3;
	s8 =	smul.u32 $0x6400, s2;
	s2 =	simm.s32 $0xB100;
	s0 =	smax.u32 s31, $0x1  }
0xd: {  	v0 =	vand.u32 $0x7, v2;
	v2 =	vor.u32 $0x8, v2;
	v1 =	vmul.u32 $0x8, v1;
	s4 =	simm.s32 $0xA100;
	s3 =	simm.s32 $0xB900;
	[dreg:$0x4] =	wrdreg s0  }
.LBB2_1:
0xe: {  	[dreg:$0x5] =	wrdreg s22;
	s22 =	simm.s32 $0x0  }
.LBB2_2:
0xf: {  	s23 =	sshll.u32 s22, $0x7  }
0x10: {  	s23 =	sadd.s32 s8, s23  }
0x11: {  	s25 =	sshrl.u32 s23, $0x3  }
0x12: {  	s24 =	simm.s32 $0x0;
	s26 =	sadd.s32 s6, s25  }
0x13: {  	[tilespmem:s24], [sflag:$0x3] =	stream.linear.gather [hbm4b:s26+s24], $0x80, $0x38;
	[tilespmem:$0x10100] =	vst v63  }
0x14: {  	_ =	swait.ge [sflag:s10], $0x80  }
0x15: {  	[sflag:s10] =	ssyncset.done $0x0  }
0x16: {  	s0 =	simm.s32 $0x80;
	s25 =	sadd.s32 s7, s25;
	[sflag:s10] =	ssyncadd.s32 $0xFFFFFF80  }
0x17: {  	[tilespmem:s0], [sflag:$0x3] =	stream.linear.gather [hbm4b:s25+s24], $0x80, $0x38;
	[tilespmem:$0x10100] =	vst v63  }
0x18: {  	_ =	swait.ge [sflag:s10], $0x80  }
0x19: {  	[sflag:s10] =	ssyncset.done $0x0  }
0x1a: {  	[sflag:s10] =	ssyncadd.s32 $0xFFFFFF80  }
0x1b: {  	v3 =	vld [tilespmem:$0x0];
	_ =	sdelay $0x4  }
0x1c: {  	v4 =	vshll.u32 v3, $0x1  }
0x1d: {  	v3 =	vand.u32 $0x7, v3;
	v4 =	vand.u32 $0xFFFFFFF0, v4  }
0x1e: {  	v3 =	vor.u32 v3, v4  }
0x1f: {  	v4 =	vperm.xlane v3, v0;
	_ =	sdelay $0x1  }
0x20: {  	v3 =	vperm.xlane v3, v2;
	v4 =	vadd.s32 v1, v4;
	_ =	sdelay $0x1  }
0x21: {  	v3 =	vadd.s32 v1, v3;
	_ =	sdelay $0x2  }
0x22: {  	[tilespmem:s12], [sflag:$0x1] =	stream.indirect_vreg.gather [hbm4b:s5+s24], $0x80, v4, vm0, $0xb8;
	[tilespmem:$0x10100] =	vst v63  }
0x23: {  	s26 =	simm.s32 $0x900  }
0x24: {  	[tilespmem:s26], [sflag:$0x1] =	stream.indirect_vreg.gather [hbm4b:s5+s24], $0x80, v3, vm0, $0xb8;
	[tilespmem:$0x10100] =	vst v63  }
0x25: {  	v3 =	vld [tilespmem:$0x10];
	_ =	sdelay $0x4  }
0x26: {  	v4 =	vshll.u32 v3, $0x1  }
0x27: {  	v3 =	vand.u32 $0x7, v3;
	v4 =	vand.u32 $0xFFFFFFF0, v4  }
0x28: {  	v3 =	vor.u32 v3, v4  }
0x29: {  	v4 =	vperm.xlane v3, v0;
	_ =	sdelay $0x1  }
0x2a: {  	v3 =	vperm.xlane v3, v2;
	v4 =	vadd.s32 v1, v4;
	_ =	sdelay $0x1  }
0x2b: {  	v3 =	vadd.s32 v1, v3;
	_ =	sdelay $0x1  }
0x2c: {  	s25 =	simm.s32 $0x1100  }
0x2d: {  	[tilespmem:s25], [sflag:$0x1] =	stream.indirect_vreg.gather [hbm4b:s5+s24], $0x80, v4, vm0, $0xb8;
	[tilespmem:$0x10100] =	vst v63  }
0x2e: {  	s26 =	simm.s32 $0x1900  }
0x2f: {  	[tilespmem:s26], [sflag:$0x1] =	stream.indirect_vreg.gather [hbm4b:s5+s24], $0x80, v3, vm0, $0xb8;
	[tilespmem:$0x10100] =	vst v63  }
0x30: {  	v3 =	vld [tilespmem:$0x20];
	_ =	sdelay $0x4  }
0x31: {  	v4 =	vshll.u32 v3, $0x1  }
0x32: {  	v3 =	vand.u32 $0x7, v3;
	v4 =	vand.u32 $0xFFFFFFF0, v4  }
0x33: {  	v3 =	vor.u32 v3, v4  }
0x34: {  	v4 =	vperm.xlane v3, v0;
	_ =	sdelay $0x1  }
0x35: {  	v3 =	vperm.xlane v3, v2;
	v4 =	vadd.s32 v1, v4;
	_ =	sdelay $0x1  }
0x36: {  	v3 =	vadd.s32 v1, v3;
	_ =	sdelay $0x1  }
0x37: {  	s25 =	simm.s32 $0x2100  }
0x38: {  	[tilespmem:s25], [sflag:$0x1] =	stream.indirect_vreg.gather [hbm4b:s5+s24], $0x80, v4, vm0, $0xb8;
	[tilespmem:$0x10100] =	vst v63  }
0x39: {  	s26 =	simm.s32 $0x2900  }
0x3a: {  	[tilespmem:s26], [sflag:$0x1] =	stream.indirect_vreg.gather [hbm4b:s5+s24], $0x80, v3, vm0, $0xb8;
	[tilespmem:$0x10100] =	vst v63  }
0x3b: {  	v3 =	vld [tilespmem:$0x30];
	_ =	sdelay $0x4  }
0x3c: {  	v4 =	vshll.u32 v3, $0x1  }
0x3d: {  	v3 =	vand.u32 $0x7, v3;
	v4 =	vand.u32 $0xFFFFFFF0, v4  }
0x3e: {  	v3 =	vor.u32 v3, v4  }
0x3f: {  	v4 =	vperm.xlane v3, v0;
	_ =	sdelay $0x1  }
0x40: {  	v3 =	vperm.xlane v3, v2;
	v4 =	vadd.s32 v1, v4;
	_ =	sdelay $0x1  }
0x41: {  	v3 =	vadd.s32 v1, v3;
	_ =	sdelay $0x1  }
0x42: {  	s25 =	simm.s32 $0x3100  }
0x43: {  	[tilespmem:s25], [sflag:$0x1] =	stream.indirect_vreg.gather [hbm4b:s5+s24], $0x80, v4, vm0, $0xb8;
	[tilespmem:$0x10100] =	vst v63  }
0x44: {  	s26 =	simm.s32 $0x3900  }
0x45: {  	[tilespmem:s26], [sflag:$0x1] =	stream.indirect_vreg.gather [hbm4b:s5+s24], $0x80, v3, vm0, $0xb8;
	[tilespmem:$0x10100] =	vst v63  }
0x46: {  	v3 =	vld [tilespmem:$0x40];
	_ =	sdelay $0x4  }
0x47: {  	v4 =	vshll.u32 v3, $0x1  }
0x48: {  	v3 =	vand.u32 $0x7, v3;
	v4 =	vand.u32 $0xFFFFFFF0, v4  }
0x49: {  	v3 =	vor.u32 v3, v4  }
0x4a: {  	v4 =	vperm.xlane v3, v0;
	_ =	sdelay $0x1  }
0x4b: {  	v3 =	vperm.xlane v3, v2;
	v4 =	vadd.s32 v1, v4;
	_ =	sdelay $0x1  }
0x4c: {  	v3 =	vadd.s32 v1, v3;
	_ =	sdelay $0x1  }
0x4d: {  	s25 =	simm.s32 $0x4100  }
0x4e: {  	[tilespmem:s25], [sflag:$0x1] =	stream.indirect_vreg.gather [hbm4b:s5+s24], $0x80, v4, vm0, $0xb8;
	[tilespmem:$0x10100] =	vst v63  }
0x4f: {  	s26 =	simm.s32 $0x4900  }
0x50: {  	[tilespmem:s26], [sflag:$0x1] =	stream.indirect_vreg.gather [hbm4b:s5+s24], $0x80, v3, vm0, $0xb8;
	[tilespmem:$0x10100] =	vst v63  }
0x51: {  	v3 =	vld [tilespmem:$0x50];
	_ =	sdelay $0x4  }
0x52: {  	v4 =	vshll.u32 v3, $0x1  }
0x53: {  	v3 =	vand.u32 $0x7, v3;
	v4 =	vand.u32 $0xFFFFFFF0, v4  }
0x54: {  	v3 =	vor.u32 v3, v4  }
0x55: {  	v4 =	vperm.xlane v3, v0;
	_ =	sdelay $0x1  }
0x56: {  	v3 =	vperm.xlane v3, v2;
	v4 =	vadd.s32 v1, v4;
	_ =	sdelay $0x1  }
0x57: {  	v3 =	vadd.s32 v1, v3;
	_ =	sdelay $0x1  }
0x58: {  	s25 =	simm.s32 $0x5100  }
0x59: {  	[tilespmem:s25], [sflag:$0x1] =	stream.indirect_vreg.gather [hbm4b:s5+s24], $0x80, v4, vm0, $0xb8;
	[tilespmem:$0x10100] =	vst v63  }
0x5a: {  	s26 =	simm.s32 $0x5900  }
0x5b: {  	[tilespmem:s26], [sflag:$0x1] =	stream.indirect_vreg.gather [hbm4b:s5+s24], $0x80, v3, vm0, $0xb8;
	[tilespmem:$0x10100] =	vst v63  }
0x5c: {  	v3 =	vld [tilespmem:$0x60];
	_ =	sdelay $0x4  }
0x5d: {  	v4 =	vshll.u32 v3, $0x1  }
0x5e: {  	v3 =	vand.u32 $0x7, v3;
	v4 =	vand.u32 $0xFFFFFFF0, v4  }
0x5f: {  	v3 =	vor.u32 v3, v4  }
0x60: {  	v4 =	vperm.xlane v3, v0;
	_ =	sdelay $0x1  }
0x61: {  	v3 =	vperm.xlane v3, v2;
	v4 =	vadd.s32 v1, v4;
	_ =	sdelay $0x1  }
0x62: {  	v3 =	vadd.s32 v1, v3;
	_ =	sdelay $0x1  }
0x63: {  	s25 =	simm.s32 $0x6100  }
0x64: {  	[tilespmem:s25], [sflag:$0x1] =	stream.indirect_vreg.gather [hbm4b:s5+s24], $0x80, v4, vm0, $0xb8;
	[tilespmem:$0x10100] =	vst v63  }
0x65: {  	s26 =	simm.s32 $0x6900  }
0x66: {  	[tilespmem:s26], [sflag:$0x1] =	stream.indirect_vreg.gather [hbm4b:s5+s24], $0x80, v3, vm0, $0xb8;
	[tilespmem:$0x10100] =	vst v63  }
0x67: {  	v3 =	vld [tilespmem:$0x70];
	_ =	sdelay $0x4  }
0x68: {  	v4 =	vshll.u32 v3, $0x1  }
0x69: {  	v3 =	vand.u32 $0x7, v3;
	v4 =	vand.u32 $0xFFFFFFF0, v4  }
0x6a: {  	v3 =	vor.u32 v3, v4  }
0x6b: {  	v4 =	vperm.xlane v3, v0;
	_ =	sdelay $0x1  }
0x6c: {  	v3 =	vperm.xlane v3, v2;
	v4 =	vadd.s32 v1, v4;
	_ =	sdelay $0x1  }
0x6d: {  	v3 =	vadd.s32 v1, v3;
	_ =	sdelay $0x1  }
0x6e: {  	s25 =	simm.s32 $0x7100  }
0x6f: {  	[tilespmem:s25], [sflag:$0x1] =	stream.indirect_vreg.gather [hbm4b:s5+s24], $0x80, v4, vm0, $0xb8;
	[tilespmem:$0x10100] =	vst v63  }
0x70: {  	s26 =	simm.s32 $0x7900  }
0x71: {  	[tilespmem:s26], [sflag:$0x1] =	stream.indirect_vreg.gather [hbm4b:s5+s24], $0x80, v3, vm0, $0xb8;
	[tilespmem:$0x10100] =	vst v63  }
0x72: {  	v3 =	vld [tilespmem:$0x80];
	_ =	sdelay $0x4  }
0x73: {  	v4 =	vshll.u32 v3, $0x1  }
0x74: {  	v3 =	vand.u32 $0x7, v3;
	v4 =	vand.u32 $0xFFFFFFF0, v4  }
0x75: {  	v3 =	vor.u32 v3, v4  }
0x76: {  	v4 =	vperm.xlane v3, v0;
	_ =	sdelay $0x1  }
0x77: {  	v3 =	vperm.xlane v3, v2;
	v4 =	vadd.s32 v1, v4;
	_ =	sdelay $0x1  }
0x78: {  	v3 =	vadd.s32 v1, v3;
	_ =	sdelay $0x1  }
0x79: {  	s25 =	simm.s32 $0x8100  }
0x7a: {  	[tilespmem:s25], [sflag:$0x2] =	stream.indirect_vreg.gather [hbm4b:s1+s24], $0x80, v4, vm0, $0xb8;
	[tilespmem:$0x10100] =	vst v63  }
0x7b: {  	s26 =	simm.s32 $0x8900  }
0x7c: {  	[tilespmem:s26], [sflag:$0x2] =	stream.indirect_vreg.gather [hbm4b:s1+s24], $0x80, v3, vm0, $0xb8;
	[tilespmem:$0x10100] =	vst v63  }
0x7d: {  	v3 =	vld [tilespmem:$0x90];
	_ =	sdelay $0x4  }
0x7e: {  	v4 =	vshll.u32 v3, $0x1  }
0x7f: {  	v3 =	vand.u32 $0x7, v3;
	v4 =	vand.u32 $0xFFFFFFF0, v4  }
0x80: {  	v3 =	vor.u32 v3, v4  }
0x81: {  	v4 =	vperm.xlane v3, v0;
	_ =	sdelay $0x1  }
0x82: {  	v3 =	vperm.xlane v3, v2;
	v4 =	vadd.s32 v1, v4;
	_ =	sdelay $0x1  }
0x83: {  	v3 =	vadd.s32 v1, v3;
	_ =	sdelay $0x1  }
0x84: {  	s25 =	simm.s32 $0x9100  }
0x85: {  	[tilespmem:s25], [sflag:$0x2] =	stream.indirect_vreg.gather [hbm4b:s1+s24], $0x80, v4, vm0, $0xb8;
	[tilespmem:$0x10100] =	vst v63  }
0x86: {  	s26 =	simm.s32 $0x9900  }
0x87: {  	[tilespmem:s26], [sflag:$0x2] =	stream.indirect_vreg.gather [hbm4b:s1+s24], $0x80, v3, vm0, $0xb8;
	[tilespmem:$0x10100] =	vst v63  }
0x88: {  	v3 =	vld [tilespmem:$0xA0];
	_ =	sdelay $0x4  }
0x89: {  	v4 =	vshll.u32 v3, $0x1  }
0x8a: {  	v3 =	vand.u32 $0x7, v3;
	v4 =	vand.u32 $0xFFFFFFF0, v4  }
0x8b: {  	v3 =	vor.u32 v3, v4  }
0x8c: {  	v4 =	vperm.xlane v3, v0;
	_ =	sdelay $0x1  }
0x8d: {  	v3 =	vperm.xlane v3, v2;
	v4 =	vadd.s32 v1, v4;
	_ =	sdelay $0x1  }
0x8e: {  	v3 =	vadd.s32 v1, v3;
	_ =	sdelay $0x2  }
0x8f: {  	[tilespmem:s4], [sflag:$0x2] =	stream.indirect_vreg.gather [hbm4b:s1+s24], $0x80, v4, vm0, $0xb8;
	[tilespmem:$0x10100] =	vst v63  }
0x90: {  	_ = 	snop  }
0x91: {  	[tilespmem:s9], [sflag:$0x2] =	stream.indirect_vreg.gather [hbm4b:s1+s24], $0x80, v3, vm0, $0xb8;
	[tilespmem:$0x10100] =	vst v63  }
0x92: {  	v3 =	vld [tilespmem:$0xB0];
	_ =	sdelay $0x4  }
0x93: {  	v4 =	vshll.u32 v3, $0x1  }
0x94: {  	v3 =	vand.u32 $0x7, v3;
	v4 =	vand.u32 $0xFFFFFFF0, v4  }
0x95: {  	v3 =	vor.u32 v3, v4  }
0x96: {  	v4 =	vperm.xlane v3, v0;
	_ =	sdelay $0x1  }
0x97: {  	v3 =	vperm.xlane v3, v2;
	v4 =	vadd.s32 v1, v4;
	_ =	sdelay $0x1  }
0x98: {  	v3 =	vadd.s32 v1, v3;
	_ =	sdelay $0x2  }
0x99: {  	[tilespmem:s2], [sflag:$0x2] =	stream.indirect_vreg.gather [hbm4b:s1+s24], $0x80, v4, vm0, $0xb8;
	[tilespmem:$0x10100] =	vst v63  }
0x9a: {  	_ = 	snop  }
0x9b: {  	[tilespmem:s3], [sflag:$0x2] =	stream.indirect_vreg.gather [hbm4b:s1+s24], $0x80, v3, vm0, $0xb8;
	[tilespmem:$0x10100] =	vst v63  }
0x9c: {  	v3 =	vld [tilespmem:$0xC0];
	_ =	sdelay $0x4  }
0x9d: {  	v4 =	vshll.u32 v3, $0x1  }
0x9e: {  	v3 =	vand.u32 $0x7, v3;
	v4 =	vand.u32 $0xFFFFFFF0, v4  }
0x9f: {  	v3 =	vor.u32 v3, v4  }
0xa0: {  	v4 =	vperm.xlane v3, v0;
	_ =	sdelay $0x1  }
0xa1: {  	v3 =	vperm.xlane v3, v2;
	v4 =	vadd.s32 v1, v4;
	_ =	sdelay $0x1  }
0xa2: {  	v3 =	vadd.s32 v1, v3;
	_ =	sdelay $0x2  }
0xa3: {  	[tilespmem:s11], [sflag:$0x2] =	stream.indirect_vreg.gather [hbm4b:s1+s24], $0x80, v4, vm0, $0xb8;
	[tilespmem:$0x10100] =	vst v63  }
0xa4: {  	_ = 	snop  }
0xa5: {  	[tilespmem:s13], [sflag:$0x2] =	stream.indirect_vreg.gather [hbm4b:s1+s24], $0x80, v3, vm0, $0xb8;
	[tilespmem:$0x10100] =	vst v63  }
0xa6: {  	v3 =	vld [tilespmem:$0xD0];
	_ =	sdelay $0x4  }
0xa7: {  	v4 =	vshll.u32 v3, $0x1  }
0xa8: {  	v3 =	vand.u32 $0x7, v3;
	v4 =	vand.u32 $0xFFFFFFF0, v4  }
0xa9: {  	v3 =	vor.u32 v3, v4  }
0xaa: {  	v4 =	vperm.xlane v3, v0;
	_ =	sdelay $0x1  }
0xab: {  	v3 =	vperm.xlane v3, v2;
	v4 =	vadd.s32 v1, v4;
	_ =	sdelay $0x1  }
0xac: {  	v3 =	vadd.s32 v1, v3;
	_ =	sdelay $0x2  }
0xad: {  	[tilespmem:s14], [sflag:$0x2] =	stream.indirect_vreg.gather [hbm4b:s1+s24], $0x80, v4, vm0, $0xb8;
	[tilespmem:$0x10100] =	vst v63  }
0xae: {  	_ = 	snop  }
0xaf: {  	[tilespmem:s15], [sflag:$0x2] =	stream.indirect_vreg.gather [hbm4b:s1+s24], $0x80, v3, vm0, $0xb8;
	[tilespmem:$0x10100] =	vst v63  }
0xb0: {  	v3 =	vld [tilespmem:$0xE0];
	_ =	sdelay $0x4  }
0xb1: {  	v4 =	vshll.u32 v3, $0x1  }
0xb2: {  	v3 =	vand.u32 $0x7, v3;
	v4 =	vand.u32 $0xFFFFFFF0, v4  }
0xb3: {  	v3 =	vor.u32 v3, v4  }
0xb4: {  	v4 =	vperm.xlane v3, v0;
	_ =	sdelay $0x1  }
0xb5: {  	v3 =	vperm.xlane v3, v2;
	v4 =	vadd.s32 v1, v4;
	_ =	sdelay $0x1  }
0xb6: {  	v3 =	vadd.s32 v1, v3;
	_ =	sdelay $0x2  }
0xb7: {  	[tilespmem:s16], [sflag:$0x2] =	stream.indirect_vreg.gather [hbm4b:s1+s24], $0x80, v4, vm0, $0xb8;
	[tilespmem:$0x10100] =	vst v63  }
0xb8: {  	_ = 	snop  }
0xb9: {  	[tilespmem:s17], [sflag:$0x2] =	stream.indirect_vreg.gather [hbm4b:s1+s24], $0x80, v3, vm0, $0xb8;
	[tilespmem:$0x10100] =	vst v63  }
0xba: {  	v3 =	vld [tilespmem:$0xF0];
	_ =	sdelay $0x4  }
0xbb: {  	v4 =	vshll.u32 v3, $0x1  }
0xbc: {  	v3 =	vand.u32 $0x7, v3;
	v4 =	vand.u32 $0xFFFFFFF0, v4  }
0xbd: {  	v3 =	vor.u32 v3, v4  }
0xbe: {  	v4 =	vperm.xlane v3, v0;
	_ =	sdelay $0x1  }
0xbf: {  	v3 =	vperm.xlane v3, v2;
	v4 =	vadd.s32 v1, v4;
	_ =	sdelay $0x1  }
0xc0: {  	v3 =	vadd.s32 v1, v3;
	_ =	sdelay $0x2  }
0xc1: {  	[tilespmem:s18], [sflag:$0x2] =	stream.indirect_vreg.gather [hbm4b:s1+s24], $0x80, v4, vm0, $0xb8;
	[tilespmem:$0x10100] =	vst v63  }
0xc2: {  	_ = 	snop  }
0xc3: {  	[tilespmem:s19], [sflag:$0x2] =	stream.indirect_vreg.gather [hbm4b:s1+s24], $0x80, v3, vm0, $0xb8;
	[tilespmem:$0x10100] =	vst v63  }
0xc4: {  	_ =	swait.ge [sflag:s20], $0x8000  }
0xc5: {  	s28 =	simm.s32 $0x0;
	s0 =	simm.s32 $0x0;
	[sflag:s20] =	ssyncset.done $0x0  }
0xc6: {  	s25 =	sand.u32 $0x70, s24;
	s24 =	sand.u32 $0x400, s24;
	[sflag:s20] =	ssyncadd.s32 $0xFFFF8000  }
0xc7: {  	s26 =	sand.u32 $0x7800, s0;
	s24 =	sor.u32 s24, s25;
	_ =	swait.ge [sflag:s21], $0x8000  }
0xc8: {  	s0 =	sand.u32 $0x380, s28;
	s24 =	sor.u32 s26, s24;
	[sflag:s21] =	ssyncset.done $0x0  }
0xc9: {  	s24 =	sor.u32 s0, s24;
	[sflag:s21] =	ssyncadd.s32 $0xFFFF8000  }
0xca: {  	v3 =	vld [tilespmem:s24+$0x8100]  }
0xcb: {  	v4 =	vld [tilespmem:s24+$0x100];
	_ =	sdelay $0x1  }
0xcc: {  	s29 =	simm.s32 $0x8;
	s25 =	simm.s32 $0x10;
	s26 =	simm.s32 $0x80  }
0xcd: {  	s30 =	simm.s32 $0x10;
	s28 =	sand.u32 $0x70, s25;
	s31 =	sand.u32 $0x400, s26  }
0xce: {  	s30 =	sand.u32 $0x7800, s30;
	s31 =	sor.u32 s31, s28;
	s28 =	simm.s32 $0x2  }
.LBB2_3:
0xcf: {  	p0 =	sne.s32 s28, $0x7FF;
	s29 =	sand.u32 $0x380, s29;
	s30 =	sor.u32 s30, s31;
	v4 =	vadd.f32 v3, v4  }
0xd0: {  	s29 =	sor.u32 s29, s30  }
0xd1: {  	v3 =	vld [tilespmem:s29+$0x8100];
	[tilespmem:s24+$0x100] =	vst v4;
	s24 =	smov.u32 s29  }
.Ltmp0:
0xd2: {  	v4 =	vld [tilespmem:s24+$0x100];
	(pc) =	sbr.rel @p0 .LBB2_3-.Ltmp0, $4  }
0xd3: {  	_ = 	snop  }
0xd4: {  	s25 =	sadd.s32 $0x10, s25;
	s26 =	sadd.s32 $0x80, s26;
	s29 =	sshll.u32 s28, $0x3  }
0xd5: {  	s31 =	sand.u32 $0x70, s25;
	s30 =	sshll.u32 s28, $0x4;
	s0 =	sand.u32 $0x400, s26  }
0xd6: {  	s30 =	sand.u32 $0x7800, s30;
	s31 =	sor.u32 s0, s31;
	s28 =	sadd.s32 $0x1, s28  }
0xd7: {  	s0 =	sand.u32 $0x380, s29;
	s25 =	sor.u32 s30, s31;
	v3 =	vadd.f32 v3, v4  }
0xd8: {  	s0 =	sor.u32 s0, s25  }
0xd9: {  	v63 =	vld [tilespmem:s0+$0x8100];
	[tilespmem:s24+$0x100] =	vst v3  }
0xda: {  	v3 =	vld [tilespmem:s0+$0x100];
	_ =	sdelay $0x4  }
0xdb: {  	s22 =	sadd.s32 $0x1, s22;
	v3 =	vadd.f32 v63, v3  }
0xdc: {  	s23 =	sshll.u32 s23, $0x5;
	s30 =	rddreg [dreg:$0x2];
	p0 =	sne.s32 s22, $0xC8  }
.Ltmp1:
0xdd: {  	s31 =	simm.s32 $0x0;
	[tilespmem:s0+$0x100] =	vst v3;
	s0 =	sadd.s32 s30, s23;
	(pc) =	sbr.rel @p0 .LBB2_2-.Ltmp1, $4  }
0xde: {  	[hbm4b:s0+s31] =	stream.linear.scatter [tilespmem:s12], [sflag:$0x3], $0x8000, $0x38;
	[tilespmem:$0x10100] =	vst v63  }
0xdf: {  	_ =	swait.ge [sflag:s10], $0x8000  }
0xe0: {  	[sflag:s10] =	ssyncset.done $0x0  }
0xe1: {  	[sflag:s10] =	ssyncadd.s32 $0xFFFF8000  }
0xe2: {  	s22 =	rddreg [dreg:$0x5]  }
0xe3: {  	s0 =	rddreg [dreg:$0x4];
	s22 =	sadd.s32 $0x1, s22  }
0xe4: {  	p0 =	sne.s32 s22, s0  }
.Ltmp2:
0xe5: {  	_ = 	snop;
	(pc) =	sbr.rel @p0 .LBB2_1-.Ltmp2, $1  }
0xe6: {  	_ =	sdelay $0x3  }
0xe7: {  	_ =	sfence.sel $0x180000  }
0xe8: {  	[bflag:$0x0] =	sbarrier.arrive $0xFFFF  }
0xe9: {  	_ =	strace $0x90000047  }
0xea: {  	s0 =	stileid.u32;
	[bflag:$0x2] =	sbarrier.arrive $0xFFFF  }
0xeb: {  	p0 =	sne.s32 s0, $0x0;
	s0 =	rddreg [dreg:$0x3]  }
0xec: {  	s0 =	sadd.s32 @!p0 $0x100000, s0  }
0xed: {  	[sflag:s0] =	ssyncadd.tile.s32 @!p0 $0x1;
	_ =	shalt  }
.Lfunc_end2:
_tile_overlayer_lowered:
.L_overlay_start_2:
0xee: {  	(tag) =	ssettag $0x2  }
0xef: {  	s0 =	rddreg [dreg:$0x0];
	s2 =	stileid.u32  }
0xf0: {  	s1 =	rddreg [dreg:$0x1];
	p0 =	sne.s32 s2, $0x0  }
0xf1: {  	s3 =	rddreg [dreg:$0x2];
	[bflag:$0x3] =	sbarrier.arrive $0xFFFF;
	s2 =	simm.s32 @!p0 $0x1C03  }
0xf2: {  	[timem:s3], [sflag:s2] =	dma.local @!p0 [hbm:s0], s1  }
0xf3: {  	s0 =	simm.s32 @!p0 $0x3  }
0xf4: {  	_ =	swait.ge @!p0 [sflag:s0], s1  }
0xf5: {  	s1 =	ssub.s32 @!p0 $0x0, s1;
	[sflag:s0] =	ssyncset.done @!p0 $0x0  }
0xf6: {  	[sflag:s0] =	ssyncadd.s32 @!p0 s1  }
0xf7: {  	[bflag:$0x3] =	sbarrier.arrive $0xFFFF  }
0xf8: {  	_ =	shalt  }

</sc_bundles>
